<compile_context>
chip_gen: v7x
topology: tpu7x:2x2x1
jax: 0.10.2.dev20260603
libtpu: 0.0.44.dev20260713+nightly
codegen_flags: <defaults>
</compile_context>

<pallas_src>
import functools

import jax
import jax.numpy as jnp
from jax import lax
from jax.experimental import pallas as pl
from jax.experimental.pallas import tpu as pltpu
from jax.experimental.pallas import tpu_sc as plsc


@functools.lru_cache(maxsize=None)
def _build_gather(B, V, D):
    info = plsc.get_sparse_core_info()
    NC, NS = info.num_cores, info.num_subcores
    NW = NC * NS
    assert B % (8 * NW) == 0
    b_per_w = B // NW
    mesh = plsc.VectorSubcoreMesh(core_axis_name="c", subcore_axis_name="s")

    @functools.partial(
        pl.kernel,
        mesh=mesh,
        out_type=jax.ShapeDtypeStruct((B, D), jnp.float32),
        scratch_types=[
            pltpu.VMEM((2, b_per_w // 2), jnp.int32),
            pltpu.VMEM((2, b_per_w // 2, D), jnp.float32),
            pltpu.SemaphoreType.DMA,
            pltpu.SemaphoreType.DMA,
            pltpu.SemaphoreType.DMA,
            pltpu.SemaphoreType.DMA,
        ],
    )
    def gather_kernel(idx_hbm, table_hbm, out_hbm, idx_v, rows_v,
                      g0, g1, w0, w1):
        h = b_per_w // 2
        wid = lax.axis_index("s") * NC + lax.axis_index("c")
        base = wid * b_per_w
        pltpu.sync_copy(idx_hbm.at[pl.ds(base, h)], idx_v.at[0])
        pltpu.sync_copy(idx_hbm.at[pl.ds(base + h, h)], idx_v.at[1])
        ga = pltpu.async_copy(table_hbm.at[idx_v.at[0]], rows_v.at[0], g0)
        gb = pltpu.async_copy(table_hbm.at[idx_v.at[1]], rows_v.at[1], g1)
        ga.wait()
        wa = pltpu.async_copy(rows_v.at[0], out_hbm.at[pl.ds(base, h)], w0)
        gb.wait()
        wb = pltpu.async_copy(rows_v.at[1], out_hbm.at[pl.ds(base + h, h)], w1)
        wa.wait()
        wb.wait()

    return gather_kernel


def kernel(indices, table):
    B, = indices.shape
    V, D = table.shape
    idx = indices.astype(jnp.int32)
    return _build_gather(B, V, D)(idx, table)

# --- scband reference (transcript-rebuilt; emitter-appended) ---
"""Pipeline reference for scband-mock-text-encoder-87643102642404 (READ-ONLY COPY).

The authoritative reference and input builder live on the scoring server;
editing this copy changes nothing except your own understanding.
"""

import jax, jax.numpy as jnp
import numpy as np

VOCAB = 1000
EMBED_DIM = 768
BATCH = 4096

def setup_inputs(seed: int = 0) -> dict:
    key = jax.random.key(seed)
    k_idx, k_tab = jax.random.split(key)
    indices = jax.random.randint(k_idx, (BATCH,), 0, VOCAB, dtype=jnp.int64 if jax.config.jax_enable_x64 else jnp.int32)
    table = jax.random.normal(k_tab, (VOCAB, EMBED_DIM), dtype=jnp.float32)
    return {"indices": indices, "table": table}

def reference(indices, table):
    # MockTextEncoder.forward: hashes texts to indices in [0, 1000), then embedding lookup.
    # We model the pre-hashed indices directly; the core op is a gather from the table.
    return jnp.take(table, indices, axis=0)

if __name__ == "__main__":
    import jax
    _d = setup_inputs()
    print(jax.jit(kernel)(*tuple(_d.values())))

</pallas_src>

<mosaic_0001>
#map = affine_map<(d0, d1) -> (0)>
#map1 = affine_map<(d0, d1) -> (0, 0)>
module attributes {stable_mosaic.version = 14 : i64} {
  func.func @gather_kernel(%arg0: i32, %arg1: i32, %arg2: memref<4096xi32, #tpu.memory_space<hbm>>, %arg3: memref<1000x768xf32, #tpu.memory_space<hbm>>, %arg4: memref<4096x768xf32, #tpu.memory_space<hbm>>, %arg5: memref<2x64xi32, #tpu.memory_space<vmem>>, %arg6: memref<2x64x768xf32, #tpu.memory_space<vmem>>, %arg7: memref<!tpu.dma_semaphore, #tpu.memory_space<semaphore_mem>>, %arg8: memref<!tpu.dma_semaphore, #tpu.memory_space<semaphore_mem>>, %arg9: memref<!tpu.dma_semaphore, #tpu.memory_space<semaphore_mem>>, %arg10: memref<!tpu.dma_semaphore, #tpu.memory_space<semaphore_mem>>) attributes {dimension_semantics = [#tpu.dimension_semantics<core_parallel>, #tpu.dimension_semantics<subcore_parallel>], iteration_bounds = array<i64: 2, 16>, scalar_prefetch = 0 : i64, scratch_operands = 6 : i64, tpu.core_type = #tpu.core_type<sc_vector_subcore>, window_params = [{transform_indices = #map}, {transform_indices = #map1}, {transform_indices = #map1}]} {
    %mul3A = arith.constant 2 : i32
    %mul3A_0 = arith.muli %arg1, %mul3A : i32
    %add3A = arith.addi %mul3A_0, %arg0 : i32
    %mul3A_1 = arith.constant 128 : i32
    %mul3A_2 = arith.muli %add3A, %mul3A_1 : i32
    %run_scoped3A = arith.constant 0 : i32
    "tpu.region"() ({
      %run_scoped3A_106 = tpu.sem_alloc : memref<!tpu.dma_semaphore, #tpu.memory_space<semaphore_mem>>
      %dma_start3A_107 = arith.constant 0 : i32
      %dma_start3A_108 = tpu.memref_slice %arg5[%run_scoped3A, %dma_start3A_107] : memref<2x64xi32, #tpu.memory_space<vmem>> -> memref<1x64xi32, #tpu.memory_space<vmem>>
      %dma_start3A_109 = tpu.memref_squeeze %dma_start3A_108 : memref<1x64xi32, #tpu.memory_space<vmem>> -> memref<64xi32, #tpu.memory_space<vmem>>
      %dma_start3A_110 = tpu.memref_slice %arg2[%mul3A_2] : memref<4096xi32, #tpu.memory_space<hbm>> -> memref<64xi32, #tpu.memory_space<hbm>>
      %dma_start3A_111 = arith.constant 0 : i32
      %dma_start3A_112 = tpu.memref_slice %arg5[%run_scoped3A, %dma_start3A_111] : memref<2x64xi32, #tpu.memory_space<vmem>> -> memref<1x64xi32, #tpu.memory_space<vmem>>
      %dma_start3A_113 = tpu.memref_squeeze %dma_start3A_112 : memref<1x64xi32, #tpu.memory_space<vmem>> -> memref<64xi32, #tpu.memory_space<vmem>>
      %dma_start3A_114 = tpu.memref_slice %arg2[%mul3A_2] : memref<4096xi32, #tpu.memory_space<hbm>> -> memref<64xi32, #tpu.memory_space<hbm>>
      tpu.enqueue_dma source(%dma_start3A_114 : memref<64xi32, #tpu.memory_space<hbm>>) target(%dma_start3A_113 : memref<64xi32, #tpu.memory_space<vmem>>) target_semaphore(%run_scoped3A_106 : memref<!tpu.dma_semaphore, #tpu.memory_space<semaphore_mem>>)
      %dma_wait3A_115 = arith.constant 0 : i32
      %dma_wait3A_116 = tpu.memref_slice %arg5[%run_scoped3A, %dma_wait3A_115] : memref<2x64xi32, #tpu.memory_space<vmem>> -> memref<1x64xi32, #tpu.memory_space<vmem>>
      %dma_wait3A_117 = tpu.memref_squeeze %dma_wait3A_116 : memref<1x64xi32, #tpu.memory_space<vmem>> -> memref<64xi32, #tpu.memory_space<vmem>>
      %dma_wait3A_118 = tpu.memref_slice %arg2[%mul3A_2] : memref<4096xi32, #tpu.memory_space<hbm>> -> memref<64xi32, #tpu.memory_space<hbm>>
      %dma_wait3A_119 = arith.constant 0 : i32
      %dma_wait3A_120 = tpu.memref_slice %arg5[%run_scoped3A, %dma_wait3A_119] : memref<2x64xi32, #tpu.memory_space<vmem>> -> memref<1x64xi32, #tpu.memory_space<vmem>>
      %dma_wait3A_121 = tpu.memref_squeeze %dma_wait3A_120 : memref<1x64xi32, #tpu.memory_space<vmem>> -> memref<64xi32, #tpu.memory_space<vmem>>
      %dma_wait3A_122 = tpu.memref_slice %arg2[%mul3A_2] : memref<4096xi32, #tpu.memory_space<hbm>> -> memref<64xi32, #tpu.memory_space<hbm>>
      tpu.wait_dma2 semaphore(%run_scoped3A_106 : memref<!tpu.dma_semaphore, #tpu.memory_space<semaphore_mem>>) src(%dma_wait3A_122 : memref<64xi32, #tpu.memory_space<hbm>>) dst(%dma_wait3A_121 : memref<64xi32, #tpu.memory_space<vmem>>)
      tpu.yield
    }) : () -> ()
    %add3A_3 = arith.constant 64 : i32
    %add3A_4 = arith.addi %mul3A_2, %add3A_3 : i32
    %run_scoped3A_5 = arith.constant 1 : i32
    "tpu.region"() ({
      %run_scoped3A_106 = tpu.sem_alloc : memref<!tpu.dma_semaphore, #tpu.memory_space<semaphore_mem>>
      %dma_start3A_107 = arith.constant 0 : i32
      %dma_start3A_108 = tpu.memref_slice %arg5[%run_scoped3A_5, %dma_start3A_107] : memref<2x64xi32, #tpu.memory_space<vmem>> -> memref<1x64xi32, #tpu.memory_space<vmem>>
      %dma_start3A_109 = tpu.memref_squeeze %dma_start3A_108 : memref<1x64xi32, #tpu.memory_space<vmem>> -> memref<64xi32, #tpu.memory_space<vmem>>
      %dma_start3A_110 = tpu.memref_slice %arg2[%add3A_4] : memref<4096xi32, #tpu.memory_space<hbm>> -> memref<64xi32, #tpu.memory_space<hbm>>
      %dma_start3A_111 = arith.constant 0 : i32
      %dma_start3A_112 = tpu.memref_slice %arg5[%run_scoped3A_5, %dma_start3A_111] : memref<2x64xi32, #tpu.memory_space<vmem>> -> memref<1x64xi32, #tpu.memory_space<vmem>>
      %dma_start3A_113 = tpu.memref_squeeze %dma_start3A_112 : memref<1x64xi32, #tpu.memory_space<vmem>> -> memref<64xi32, #tpu.memory_space<vmem>>
      %dma_start3A_114 = tpu.memref_slice %arg2[%add3A_4] : memref<4096xi32, #tpu.memory_space<hbm>> -> memref<64xi32, #tpu.memory_space<hbm>>
      tpu.enqueue_dma source(%dma_start3A_114 : memref<64xi32, #tpu.memory_space<hbm>>) target(%dma_start3A_113 : memref<64xi32, #tpu.memory_space<vmem>>) target_semaphore(%run_scoped3A_106 : memref<!tpu.dma_semaphore, #tpu.memory_space<semaphore_mem>>)
      %dma_wait3A_115 = arith.constant 0 : i32
      %dma_wait3A_116 = tpu.memref_slice %arg5[%run_scoped3A_5, %dma_wait3A_115] : memref<2x64xi32, #tpu.memory_space<vmem>> -> memref<1x64xi32, #tpu.memory_space<vmem>>
      %dma_wait3A_117 = tpu.memref_squeeze %dma_wait3A_116 : memref<1x64xi32, #tpu.memory_space<vmem>> -> memref<64xi32, #tpu.memory_space<vmem>>
      %dma_wait3A_118 = tpu.memref_slice %arg2[%add3A_4] : memref<4096xi32, #tpu.memory_space<hbm>> -> memref<64xi32, #tpu.memory_space<hbm>>
      %dma_wait3A_119 = arith.constant 0 : i32
      %dma_wait3A_120 = tpu.memref_slice %arg5[%run_scoped3A_5, %dma_wait3A_119] : memref<2x64xi32, #tpu.memory_space<vmem>> -> memref<1x64xi32, #tpu.memory_space<vmem>>
      %dma_wait3A_121 = tpu.memref_squeeze %dma_wait3A_120 : memref<1x64xi32, #tpu.memory_space<vmem>> -> memref<64xi32, #tpu.memory_space<vmem>>
      %dma_wait3A_122 = tpu.memref_slice %arg2[%add3A_4] : memref<4096xi32, #tpu.memory_space<hbm>> -> memref<64xi32, #tpu.memory_space<hbm>>
      tpu.wait_dma2 semaphore(%run_scoped3A_106 : memref<!tpu.dma_semaphore, #tpu.memory_space<semaphore_mem>>) src(%dma_wait3A_122 : memref<64xi32, #tpu.memory_space<hbm>>) dst(%dma_wait3A_121 : memref<64xi32, #tpu.memory_space<vmem>>)
      tpu.yield
    }) : () -> ()
    %dma_start3A = arith.constant 0 : i32
    %dma_start3A_6 = arith.constant 0 : i32
    %dma_start3A_7 = arith.constant 0 : i32
    %dma_start3A_8 = arith.constant 0 : i32
    %dma_start3A_9 = tpu.memref_slice %arg6[%dma_start3A_6, %dma_start3A_7, %dma_start3A_8] : memref<2x64x768xf32, #tpu.memory_space<vmem>> -> memref<1x64x768xf32, #tpu.memory_space<vmem>>
    %dma_start3A_10 = tpu.memref_squeeze %dma_start3A_9 : memref<1x64x768xf32, #tpu.memory_space<vmem>> -> memref<64x768xf32, #tpu.memory_space<vmem>>
    %dma_start3A_11 = arith.constant 0 : i32
    %dma_start3A_12 = tpu.memref_slice %arg5[%dma_start3A, %dma_start3A_11] : memref<2x64xi32, #tpu.memory_space<vmem>> -> memref<1x64xi32, #tpu.memory_space<vmem>>
    %dma_start3A_13 = tpu.memref_squeeze %dma_start3A_12 : memref<1x64xi32, #tpu.memory_space<vmem>> -> memref<64xi32, #tpu.memory_space<vmem>>
    %dma_start3A_14 = arith.constant 0 : i32
    %dma_start3A_15 = arith.constant 0 : i32
    %dma_start3A_16 = tpu.memref_slice %arg3[%dma_start3A_14, %dma_start3A_15] : memref<1000x768xf32, #tpu.memory_space<hbm>> -> memref<1000x768xf32, #tpu.memory_space<hbm>>
    tpu.enqueue_indirect_dma source(%dma_start3A_16 : memref<1000x768xf32, #tpu.memory_space<hbm>>) target(%dma_start3A_10 : memref<64x768xf32, #tpu.memory_space<vmem>>) offsets(%dma_start3A_13 : memref<64xi32, #tpu.memory_space<vmem>>) semaphore(%arg7 : memref<!tpu.dma_semaphore, #tpu.memory_space<semaphore_mem>>)
    %dma_start3A_17 = arith.constant 1 : i32
    %dma_start3A_18 = arith.constant 1 : i32
    %dma_start3A_19 = arith.constant 0 : i32
    %dma_start3A_20 = arith.constant 0 : i32
    %dma_start3A_21 = tpu.memref_slice %arg6[%dma_start3A_18, %dma_start3A_19, %dma_start3A_20] : memref<2x64x768xf32, #tpu.memory_space<vmem>> -> memref<1x64x768xf32, #tpu.memory_space<vmem>>
    %dma_start3A_22 = tpu.memref_squeeze %dma_start3A_21 : memref<1x64x768xf32, #tpu.memory_space<vmem>> -> memref<64x768xf32, #tpu.memory_space<vmem>>
    %dma_start3A_23 = arith.constant 0 : i32
    %dma_start3A_24 = tpu.memref_slice %arg5[%dma_start3A_17, %dma_start3A_23] : memref<2x64xi32, #tpu.memory_space<vmem>> -> memref<1x64xi32, #tpu.memory_space<vmem>>
    %dma_start3A_25 = tpu.memref_squeeze %dma_start3A_24 : memref<1x64xi32, #tpu.memory_space<vmem>> -> memref<64xi32, #tpu.memory_space<vmem>>
    %dma_start3A_26 = arith.constant 0 : i32
    %dma_start3A_27 = arith.constant 0 : i32
    %dma_start3A_28 = tpu.memref_slice %arg3[%dma_start3A_26, %dma_start3A_27] : memref<1000x768xf32, #tpu.memory_space<hbm>> -> memref<1000x768xf32, #tpu.memory_space<hbm>>
    tpu.enqueue_indirect_dma source(%dma_start3A_28 : memref<1000x768xf32, #tpu.memory_space<hbm>>) target(%dma_start3A_22 : memref<64x768xf32, #tpu.memory_space<vmem>>) offsets(%dma_start3A_25 : memref<64xi32, #tpu.memory_space<vmem>>) semaphore(%arg8 : memref<!tpu.dma_semaphore, #tpu.memory_space<semaphore_mem>>)
    %dma_wait3A = arith.constant 0 : i32
    %dma_wait3A_29 = arith.constant 0 : i32
    %dma_wait3A_30 = arith.constant 0 : i32
    %dma_wait3A_31 = arith.constant 0 : i32
    %dma_wait3A_32 = tpu.memref_slice %arg6[%dma_wait3A_29, %dma_wait3A_30, %dma_wait3A_31] : memref<2x64x768xf32, #tpu.memory_space<vmem>> -> memref<1x64x768xf32, #tpu.memory_space<vmem>>
    %dma_wait3A_33 = tpu.memref_squeeze %dma_wait3A_32 : memref<1x64x768xf32, #tpu.memory_space<vmem>> -> memref<64x768xf32, #tpu.memory_space<vmem>>
    %dma_wait3A_34 = arith.constant 0 : i32
    %dma_wait3A_35 = tpu.memref_slice %arg5[%dma_wait3A, %dma_wait3A_34] : memref<2x64xi32, #tpu.memory_space<vmem>> -> memref<1x64xi32, #tpu.memory_space<vmem>>
    %dma_wait3A_36 = tpu.memref_squeeze %dma_wait3A_35 : memref<1x64xi32, #tpu.memory_space<vmem>> -> memref<64xi32, #tpu.memory_space<vmem>>
    %dma_wait3A_37 = arith.constant 0 : i32
    %dma_wait3A_38 = arith.constant 0 : i32
    %dma_wait3A_39 = tpu.memref_slice %arg3[%dma_wait3A_37, %dma_wait3A_38] : memref<1000x768xf32, #tpu.memory_space<hbm>> -> memref<1000x768xf32, #tpu.memory_space<hbm>>
    tpu.wait_indirect_dma semaphore(%arg7 : memref<!tpu.dma_semaphore, #tpu.memory_space<semaphore_mem>>) src(%dma_wait3A_39 : memref<1000x768xf32, #tpu.memory_space<hbm>>) dst(%dma_wait3A_33 : memref<64x768xf32, #tpu.memory_space<vmem>>)
    %dma_start3A_40 = arith.constant 0 : i32
    %dma_start3A_41 = arith.constant 0 : i32
    %dma_start3A_42 = arith.constant 0 : i32
    %dma_start3A_43 = tpu.memref_slice %arg6[%dma_start3A_40, %dma_start3A_41, %dma_start3A_42] : memref<2x64x768xf32, #tpu.memory_space<vmem>> -> memref<1x64x768xf32, #tpu.memory_space<vmem>>
    %dma_start3A_44 = tpu.memref_squeeze %dma_start3A_43 : memref<1x64x768xf32, #tpu.memory_space<vmem>> -> memref<64x768xf32, #tpu.memory_space<vmem>>
    %dma_start3A_45 = arith.constant 0 : i32
    %dma_start3A_46 = tpu.memref_slice %arg4[%mul3A_2, %dma_start3A_45] : memref<4096x768xf32, #tpu.memory_space<hbm>> -> memref<64x768xf32, #tpu.memory_space<hbm>>
    %dma_start3A_47 = arith.constant 0 : i32
    %dma_start3A_48 = tpu.memref_slice %arg4[%mul3A_2, %dma_start3A_47] : memref<4096x768xf32, #tpu.memory_space<hbm>> -> memref<64x768xf32, #tpu.memory_space<hbm>>
    %dma_start3A_49 = arith.constant 0 : i32
    %dma_start3A_50 = arith.constant 0 : i32
    %dma_start3A_51 = tpu.memref_slice %arg6[%dma_start3A_40, %dma_start3A_49, %dma_start3A_50] : memref<2x64x768xf32, #tpu.memory_space<vmem>> -> memref<1x64x768xf32, #tpu.memory_space<vmem>>
    %dma_start3A_52 = tpu.memref_squeeze %dma_start3A_51 : memref<1x64x768xf32, #tpu.memory_space<vmem>> -> memref<64x768xf32, #tpu.memory_space<vmem>>
    tpu.enqueue_dma source(%dma_start3A_52 : memref<64x768xf32, #tpu.memory_space<vmem>>) target(%dma_start3A_48 : memref<64x768xf32, #tpu.memory_space<hbm>>) target_semaphore(%arg9 : memref<!tpu.dma_semaphore, #tpu.memory_space<semaphore_mem>>)
    %dma_wait3A_53 = arith.constant 1 : i32
    %dma_wait3A_54 = arith.constant 1 : i32
    %dma_wait3A_55 = arith.constant 0 : i32
    %dma_wait3A_56 = arith.constant 0 : i32
    %dma_wait3A_57 = tpu.memref_slice %arg6[%dma_wait3A_54, %dma_wait3A_55, %dma_wait3A_56] : memref<2x64x768xf32, #tpu.memory_space<vmem>> -> memref<1x64x768xf32, #tpu.memory_space<vmem>>
    %dma_wait3A_58 = tpu.memref_squeeze %dma_wait3A_57 : memref<1x64x768xf32, #tpu.memory_space<vmem>> -> memref<64x768xf32, #tpu.memory_space<vmem>>
    %dma_wait3A_59 = arith.constant 0 : i32
    %dma_wait3A_60 = tpu.memref_slice %arg5[%dma_wait3A_53, %dma_wait3A_59] : memref<2x64xi32, #tpu.memory_space<vmem>> -> memref<1x64xi32, #tpu.memory_space<vmem>>
    %dma_wait3A_61 = tpu.memref_squeeze %dma_wait3A_60 : memref<1x64xi32, #tpu.memory_space<vmem>> -> memref<64xi32, #tpu.memory_space<vmem>>
    %dma_wait3A_62 = arith.constant 0 : i32
    %dma_wait3A_63 = arith.constant 0 : i32
    %dma_wait3A_64 = tpu.memref_slice %arg3[%dma_wait3A_62, %dma_wait3A_63] : memref<1000x768xf32, #tpu.memory_space<hbm>> -> memref<1000x768xf32, #tpu.memory_space<hbm>>
    tpu.wait_indirect_dma semaphore(%arg8 : memref<!tpu.dma_semaphore, #tpu.memory_space<semaphore_mem>>) src(%dma_wait3A_64 : memref<1000x768xf32, #tpu.memory_space<hbm>>) dst(%dma_wait3A_58 : memref<64x768xf32, #tpu.memory_space<vmem>>)
    %add3A_65 = arith.constant 64 : i32
    %add3A_66 = arith.addi %mul3A_2, %add3A_65 : i32
    %dma_start3A_67 = arith.constant 1 : i32
    %dma_start3A_68 = arith.constant 0 : i32
    %dma_start3A_69 = arith.constant 0 : i32
    %dma_start3A_70 = tpu.memref_slice %arg6[%dma_start3A_67, %dma_start3A_68, %dma_start3A_69] : memref<2x64x768xf32, #tpu.memory_space<vmem>> -> memref<1x64x768xf32, #tpu.memory_space<vmem>>
    %dma_start3A_71 = tpu.memref_squeeze %dma_start3A_70 : memref<1x64x768xf32, #tpu.memory_space<vmem>> -> memref<64x768xf32, #tpu.memory_space<vmem>>
    %dma_start3A_72 = arith.constant 0 : i32
    %dma_start3A_73 = tpu.memref_slice %arg4[%add3A_66, %dma_start3A_72] : memref<4096x768xf32, #tpu.memory_space<hbm>> -> memref<64x768xf32, #tpu.memory_space<hbm>>
    %dma_start3A_74 = arith.constant 0 : i32
    %dma_start3A_75 = tpu.memref_slice %arg4[%add3A_66, %dma_start3A_74] : memref<4096x768xf32, #tpu.memory_space<hbm>> -> memref<64x768xf32, #tpu.memory_space<hbm>>
    %dma_start3A_76 = arith.constant 0 : i32
    %dma_start3A_77 = arith.constant 0 : i32
    %dma_start3A_78 = tpu.memref_slice %arg6[%dma_start3A_67, %dma_start3A_76, %dma_start3A_77] : memref<2x64x768xf32, #tpu.memory_space<vmem>> -> memref<1x64x768xf32, #tpu.memory_space<vmem>>
    %dma_start3A_79 = tpu.memref_squeeze %dma_start3A_78 : memref<1x64x768xf32, #tpu.memory_space<vmem>> -> memref<64x768xf32, #tpu.memory_space<vmem>>
    tpu.enqueue_dma source(%dma_start3A_79 : memref<64x768xf32, #tpu.memory_space<vmem>>) target(%dma_start3A_75 : memref<64x768xf32, #tpu.memory_space<hbm>>) target_semaphore(%arg10 : memref<!tpu.dma_semaphore, #tpu.memory_space<semaphore_mem>>)
    %dma_wait3A_80 = arith.constant 0 : i32
    %dma_wait3A_81 = arith.constant 0 : i32
    %dma_wait3A_82 = arith.constant 0 : i32
    %dma_wait3A_83 = tpu.memref_slice %arg6[%dma_wait3A_80, %dma_wait3A_81, %dma_wait3A_82] : memref<2x64x768xf32, #tpu.memory_space<vmem>> -> memref<1x64x768xf32, #tpu.memory_space<vmem>>
    %dma_wait3A_84 = tpu.memref_squeeze %dma_wait3A_83 : memref<1x64x768xf32, #tpu.memory_space<vmem>> -> memref<64x768xf32, #tpu.memory_space<vmem>>
    %dma_wait3A_85 = arith.constant 0 : i32
    %dma_wait3A_86 = tpu.memref_slice %arg4[%mul3A_2, %dma_wait3A_85] : memref<4096x768xf32, #tpu.memory_space<hbm>> -> memref<64x768xf32, #tpu.memory_space<hbm>>
    %dma_wait3A_87 = arith.constant 0 : i32
    %dma_wait3A_88 = tpu.memref_slice %arg4[%mul3A_2, %dma_wait3A_87] : memref<4096x768xf32, #tpu.memory_space<hbm>> -> memref<64x768xf32, #tpu.memory_space<hbm>>
    %dma_wait3A_89 = arith.constant 0 : i32
    %dma_wait3A_90 = arith.constant 0 : i32
    %dma_wait3A_91 = tpu.memref_slice %arg6[%dma_wait3A_80, %dma_wait3A_89, %dma_wait3A_90] : memref<2x64x768xf32, #tpu.memory_space<vmem>> -> memref<1x64x768xf32, #tpu.memory_space<vmem>>
    %dma_wait3A_92 = tpu.memref_squeeze %dma_wait3A_91 : memref<1x64x768xf32, #tpu.memory_space<vmem>> -> memref<64x768xf32, #tpu.memory_space<vmem>>
    tpu.wait_dma2 semaphore(%arg9 : memref<!tpu.dma_semaphore, #tpu.memory_space<semaphore_mem>>) src(%dma_wait3A_92 : memref<64x768xf32, #tpu.memory_space<vmem>>) dst(%dma_wait3A_88 : memref<64x768xf32, #tpu.memory_space<hbm>>)
    %dma_wait3A_93 = arith.constant 1 : i32
    %dma_wait3A_94 = arith.constant 0 : i32
    %dma_wait3A_95 = arith.constant 0 : i32
    %dma_wait3A_96 = tpu.memref_slice %arg6[%dma_wait3A_93, %dma_wait3A_94, %dma_wait3A_95] : memref<2x64x768xf32, #tpu.memory_space<vmem>> -> memref<1x64x768xf32, #tpu.memory_space<vmem>>
    %dma_wait3A_97 = tpu.memref_squeeze %dma_wait3A_96 : memref<1x64x768xf32, #tpu.memory_space<vmem>> -> memref<64x768xf32, #tpu.memory_space<vmem>>
    %dma_wait3A_98 = arith.constant 0 : i32
    %dma_wait3A_99 = tpu.memref_slice %arg4[%add3A_66, %dma_wait3A_98] : memref<4096x768xf32, #tpu.memory_space<hbm>> -> memref<64x768xf32, #tpu.memory_space<hbm>>
    %dma_wait3A_100 = arith.constant 0 : i32
    %dma_wait3A_101 = tpu.memref_slice %arg4[%add3A_66, %dma_wait3A_100] : memref<4096x768xf32, #tpu.memory_space<hbm>> -> memref<64x768xf32, #tpu.memory_space<hbm>>
    %dma_wait3A_102 = arith.constant 0 : i32
    %dma_wait3A_103 = arith.constant 0 : i32
    %dma_wait3A_104 = tpu.memref_slice %arg6[%dma_wait3A_93, %dma_wait3A_102, %dma_wait3A_103] : memref<2x64x768xf32, #tpu.memory_space<vmem>> -> memref<1x64x768xf32, #tpu.memory_space<vmem>>
    %dma_wait3A_105 = tpu.memref_squeeze %dma_wait3A_104 : memref<1x64x768xf32, #tpu.memory_space<vmem>> -> memref<64x768xf32, #tpu.memory_space<vmem>>
    tpu.wait_dma2 semaphore(%arg10 : memref<!tpu.dma_semaphore, #tpu.memory_space<semaphore_mem>>) src(%dma_wait3A_105 : memref<64x768xf32, #tpu.memory_space<vmem>>) dst(%dma_wait3A_101 : memref<64x768xf32, #tpu.memory_space<hbm>>)
    return
  }
}

</mosaic_0001>

<sc_bundles>
// kernel: kernel.3.cloned.1.call-start
scs
__scs_entry_jumppad:
0x0: {  	(pc) =	sbr.rel $0x88, $3  }
0x1: {  	(tag) =	ssettag $0x0;
	lr =	simm.s32 $0x1  }
0x2: {  	[smem:$0x3F9F] =	sst lr;
	_ =	strace $0xD0000000  }
0x3: {  	_ = 	snop  }
0x4: {  	_ = 	snop  }
0x5: {  	_ = 	snop  }
0x6: {  	_ = 	snop  }
0x7: {  	_ = 	snop  }
__scs_overlays_trampoline_lowered:
0x8: {  	[smem:$0x3FAE] =	sst s0  }
0x9: {  	[smem:$0x3FAF] =	sst s1  }
0xa: {  	[smem:$0x3FB0] =	sst s2  }
0xb: {  	[smem:$0x3FB1] =	sst s3  }
0xc: {  	[smem:$0x3FB2] =	sst s4  }
0xd: {  	[smem:$0x3FB3] =	sst s5  }
0xe: {  	[smem:$0x3FB4] =	sst s6  }
0xf: {  	[smem:$0x3FB5] =	sst s7  }
0x10: {  	[smem:$0x3FB6] =	sst s8  }
0x11: {  	[smem:$0x3FB7] =	sst s9;
	s0 =	simm.s32 @!p0 $0x0  }
0x12: {  	s1 =	sld [smem:$0x3F9D];
	s0 =	simm.s32 @p0 $0x1  }
0x13: {  	[smem:$0x3FB8] =	sst s0;
	s0 =	simm.s32 @!p1 $0x0  }
0x14: {  	s2 =	sld [smem:$0x3F9C];
	s0 =	simm.s32 @p1 $0x1  }
0x15: {  	[smem:$0x3FB9] =	sst s0;
	s0 =	simm.s32 @!p2 $0x0  }
0x16: {  	s3 =	sld [smem:$0x3FDB];
	s0 =	simm.s32 @p2 $0x1  }
0x17: {  	s4 =	simm.s32 $0x1BF5;
	[smem:$0x3FBB] =	sst s0  }
0x18: {  	s0 =	sld [smem:$0x3F9E];
	_ =	swait.ge [sflag:s4], $0x0  }
0x19: {  	s7 =	sld [smem:$0x3F9F]  }
0x1a: {  	s8 =	sadd.s32 $0xFFFFE003, lr  }
0x1b: {  	s9 =	sadd.s32 $0xFFFFFEF7, lr;
	s5 =	simm.s32 $0xFFFFFFFF;
	p2 =	slt.u32 s8, $0xFFFFF086  }
0x1c: {  	p1 =	slt.u32 s9, $0xF7A;
	s5 =	simm.s32 @!p2 $0x0  }
0x1d: {  	s5 =	simm.s32 @p1 $0x1;
	p0 =	seq.s32 s7, s2  }
0x1e: {  	s7 =	smul.u32 @!p0 $0xF7A, s2;
	p2 =	seq.s32 @!p0 s5, $0x0  }
0x1f: {  	s9 =	smul.u32 $0xF7A, s1;
	s8 =	simm.s32 @!p0 $0x1BF5;
	p2 =	por !p2, p0  }
0x20: {  	[sflag:s8] =	ssyncset.s32 @!p0 $0xFFFFF086;
	s6 =	sadd.s32 @!p0 s3, s7;
	s7 =	simm.s32 @!p0 $0x108  }
0x21: {  	s3 =	sadd.s32 s3, s9;
	s6 =	sadd.s32 @!p0 $0x88, s6;
	s7 =	simm.s32 @p2 $0x1082  }
0x22: {  	[simem:s7], [sflag:s8] =	dma.local @!p0 [hbm:s6], $0xF7A  }
0x23: {  	s9 =	sor.u32 $0xD0000000, s2;
	s6 =	simm.s32 $0x108;
	_ =	swait.ge @!p0 [sflag:s8], $0x0  }
0x24: {  	s3 =	sadd.s32 $0x88, s3;
	s6 =	simm.s32 @!p1 $0x1082;
	[sflag:s4] =	ssyncset.s32 $0xFFFFF086  }
0x25: {  	[simem:s6], [sflag:s4] =	dma.local [hbm:s3], $0xF7A  }
0x26: {  	[smem:$0x3F9F] =	sst s1;
	(tag) =	ssettag s2;
	_ =	strace s9  }
0x27: {  	s1 =	sld [smem:$0x3FAF]  }
0x28: {  	s2 =	sld [smem:$0x3FB0]  }
0x29: {  	s4 =	sld [smem:$0x3FB2]  }
0x2a: {  	p0 =	seq.s32 s5, $0x0;
	s5 =	sld [smem:$0x3FB3]  }
0x2b: {  	s6 =	sld [smem:$0x3FB4]  }
0x2c: {  	s7 =	sld [smem:$0x3FB5]  }
0x2d: {  	s3 =	simm.s32 $0x108;
	s8 =	sld [smem:$0x3FB6]  }
0x2e: {  	s3 =	simm.s32 @!p0 $0x1082;
	s9 =	sld [smem:$0x3FB7]  }
0x2f: {  	lr =	sadd.s32 s0, s3;
	s0 =	sld [smem:$0x3FAE]  }
0x30: {  	s3 =	sld [smem:$0x3FB1]  }
0x31: {  	[smem:$0x3FBA] =	sst s10  }
0x32: {  	s10 =	sld [smem:$0x3FB8];
	_ =	sdelay $0x3  }
0x33: {  	p0 =	seq.s32 s10, $0x1;
	s10 =	sld [smem:$0x3FBA];
	_ =	sdelay $0x3  }
0x34: {  	[smem:$0x3FBA] =	sst s10  }
0x35: {  	s10 =	sld [smem:$0x3FB9];
	_ =	sdelay $0x3  }
0x36: {  	p1 =	seq.s32 s10, $0x1;
	s10 =	sld [smem:$0x3FBA];
	_ =	sdelay $0x3  }
0x37: {  	[smem:$0x3FBA] =	sst s10  }
0x38: {  	s10 =	sld [smem:$0x3FBB]  }
0x39: {  	_ = 	snop;
	(pc) =	sbr.ind lr, $3  }
0x3a: {  	_ = 	snop  }
0x3b: {  	_ = 	snop  }
0x3c: {  	p2 =	seq.s32 s10, $0x1;
	s10 =	sld [smem:$0x3FBA]  }
0x3d: {  	_ =	shalt  }
0x3e: {  	_ =	shalt  }
0x3f: {  	_ =	shalt  }
0x40: {  	_ =	shalt  }
0x41: {  	_ =	shalt  }
0x42: {  	_ =	shalt  }
0x43: {  	_ =	shalt  }
0x44: {  	_ =	shalt  }
0x45: {  	_ =	shalt  }
0x46: {  	_ =	shalt  }
0x47: {  	_ =	shalt  }
0x48: {  	_ =	shalt  }
0x49: {  	_ =	shalt  }
0x4a: {  	_ =	shalt  }
0x4b: {  	_ =	shalt  }
0x4c: {  	_ =	shalt  }
0x4d: {  	_ =	shalt  }
0x4e: {  	_ =	shalt  }
0x4f: {  	_ =	shalt  }
0x50: {  	_ =	shalt  }
0x51: {  	_ =	shalt  }
0x52: {  	_ =	shalt  }
0x53: {  	_ =	shalt  }
0x54: {  	_ =	shalt  }
0x55: {  	_ =	shalt  }
0x56: {  	_ =	shalt  }
0x57: {  	_ =	shalt  }
0x58: {  	_ =	shalt  }
0x59: {  	_ =	shalt  }
0x5a: {  	_ =	shalt  }
0x5b: {  	_ =	shalt  }
0x5c: {  	_ =	shalt  }
0x5d: {  	_ =	shalt  }
0x5e: {  	_ =	shalt  }
0x5f: {  	_ =	shalt  }
0x60: {  	_ =	shalt  }
0x61: {  	_ =	shalt  }
0x62: {  	_ =	shalt  }
0x63: {  	_ =	shalt  }
0x64: {  	_ =	shalt  }
0x65: {  	_ =	shalt  }
0x66: {  	_ =	shalt  }
0x67: {  	_ =	shalt  }
0x68: {  	_ =	shalt  }
0x69: {  	_ =	shalt  }
0x6a: {  	_ =	shalt  }
0x6b: {  	_ =	shalt  }
0x6c: {  	_ =	shalt  }
0x6d: {  	_ =	shalt  }
0x6e: {  	_ =	shalt  }
0x6f: {  	_ =	shalt  }
0x70: {  	_ =	shalt  }
0x71: {  	_ =	shalt  }
0x72: {  	_ =	shalt  }
0x73: {  	_ =	shalt  }
0x74: {  	_ =	shalt  }
0x75: {  	_ =	shalt  }
0x76: {  	_ =	shalt  }
0x77: {  	_ =	shalt  }
0x78: {  	_ =	shalt  }
0x79: {  	_ =	shalt  }
0x7a: {  	_ =	shalt  }
0x7b: {  	_ =	shalt  }
0x7c: {  	_ =	shalt  }
0x7d: {  	_ =	shalt  }
0x7e: {  	_ =	shalt  }
0x7f: {  	_ =	shalt  }
0x80: {  	_ =	shalt  }
0x81: {  	_ =	shalt  }
0x82: {  	_ =	shalt  }
0x83: {  	_ =	shalt  }
0x84: {  	_ =	shalt  }
0x85: {  	_ =	shalt  }
0x86: {  	_ =	shalt  }
0x87: {  	_ =	shalt  }
.Lfunc_end0:
.L_simem_size_0:
called_computation_lowered:
.L_overlay_start_0:
0x88: {  	s2 =	sld [smem:$0x3FD9]  }
0x89: {  	s3 =	sld [smem:$0x3FFE];
	_ =	sdelay $0x1  }
0x8a: {  	s1 =	srdreg.scid  }
0x8b: {  	s0 =	sand.u32 $0x1, s1  }
0x8c: {  	s18 =	sshll.u32 s0, $0xA;
	s2 =	sadd.s32 s3, s2  }
0x8d: {  	s2 =	sadd.s32 s2, s18  }
0x8e: {  	[smem:$0x3FC6] =	sst s2  }
0x8f: {  	_ = 	snop  }
0x90: {  	s2 =	sld [smem:$0x3FC9]  }
0x91: {  	s19 =	sld [smem:$0x3FC8]  }
0x92: {  	s4 =	sld [smem:$0x3FD0];
	(tm) =	ssettm $0x1  }
0x93: {  	s5 =	sld [smem:$0x3FFB];
	_ =	sdelay $0x3  }
0x94: {  	_ =	strace s5  }
0x95: {  	s5 =	sld [smem:$0x3FFC];
	_ =	sdelay $0x3  }
0x96: {  	_ =	strace s5  }
0x97: {  	s5 =	sld [smem:$0x3FFD];
	_ =	sdelay $0x3  }
0x98: {  	_ =	strace s5  }
0x99: {  	_ =	strace $0x8FFFFFFF  }
0x9a: {  	s20 =	sld [smem:$0x3FDB];
	_ =	sdelay $0x1  }
0x9b: {  	s6 =	simm.s32 $_scs_section_size  }
0x9c: {  	s7 =	simm.s32 $_size__tile_overlayer_lowered;
	s8 =	simm.s32 $_tile_overlayer_lowered  }
0x9d: {  	s23 =	simm.s32 $0x1BFF;
	s22 =	sshll.u32 s8, $0x1;
	s5 =	sadd.s32 s6, s20  }
0x9e: {  	s9 =	simm.s32 $0x0;
	s21 =	sshll.u32 s7, $0x1;
	s7 =	sadd.s32 s22, s5  }
0x9f: {  	[timem:s9], [sflag:s23] =	dma.local [hbm:s7], s21  }
0xa0: {  	_ =	swait.ge [sflag:s23], s21  }
0xa1: {  	s6 =	ssub.s32 $0x0, s21;
	[sflag:s23] =	ssyncset.done $0x0  }
0xa2: {  	[sflag:s23] =	ssyncadd.s32 s6;
	_ =	sdelay $0x1  }
0xa3: {  	s24 =	simm.s32 $0x1B8B  }
0xa4: {  	_ =	swait.ge [sflag:s24], $0x1  }
0xa5: {  	[sflag:s24] =	ssyncset.done $0x0  }
0xa6: {  	s25 =	simm.s32 $0x1B8E;
	[sflag:s24] =	ssyncadd.s32 $0xFFFFFFFF  }
0xa7: {  	s26 =	simm.s32 $execute0_lowered;
	[smem:$0x3FD2] =	sst s25  }
0xa8: {  	s6 =	sshll.u32 s26, $0x1;
	_ =	strace $0x80000046;
	[dreg:$0x1] =	wrdreg $0xFFFFFFFF  }
0xa9: {  	s28 =	simm.s32 $_size_execute0_lowered;
	s5 =	sadd.s32 s5, s6;
	[dreg:$0x0] =	wrdreg $0x0  }
0xaa: {  	s6 =	sshll.u32 s28, $0x1;
	[dreg:$0x2] =	wrdreg s5  }
0xab: {  	[dreg:$0x3] =	wrdreg s6  }
0xac: {  	[dreg:$0x4] =	wrdreg $0xC0  }
0xad: {  	_ =	task [dreg:s9], $0x5FFFF  }
0xae: {  	[dreg:$0x1] =	wrdreg $0xFFFFFFFF  }
0xaf: {  	[dreg:$0x0] =	wrdreg $0x60  }
0xb0: {  	[dreg:$0x2] =	wrdreg s2  }
0xb1: {  	[dreg:$0x3] =	wrdreg s19  }
0xb2: {  	[dreg:$0x4] =	wrdreg s4  }
0xb3: {  	[dreg:$0x5] =	wrdreg $0x9  }
0xb4: {  	_ =	task.clear_ibuf [dreg:s9], $0x6FFFF;
	_ =	strace $0x90000046  }
0xb5: {  	s29 =	simm.s32 $0x9;
	_ =	strace $0x80000048  }
0xb6: {  	_ =	swait.ge [sflag:s29], $0x1  }
0xb7: {  	[sflag:s29] =	ssyncadd.s32 $0xFFFFFFFF  }
0xb8: {  	_ =	strace $0x90000048  }
0xb9: {  	_ =	sfence  }
0xba: {  	s30 =	sld [smem:$0x0];
	_ =	sdelay $0x2  }
0xbb: {  	s31 =	sshll.u32 s1, $0xD;
	s1 =	sshrl.u32 s1, $0x2  }
0xbc: {  	s3 =	sand.u32 $0x4000, s31;
	s1 =	sadd.s32 s1, s30  }
0xbd: {  	s0 =	sor.u32 s3, s0;
	s1 =	sshll.u32 s1, $0x11  }
0xbe: {  	s0 =	sor.u32 s1, s0  }
0xbf: {  	s0 =	sadd.s32 $0x8F2B, s0  }
0xc0: {  	[sflag:s0] =	ssyncadd.remote.s32 $0x1  }
0xc1: {  	_ =	sfence.sel $0xFFFF  }
0xc2: {  	[dreg:$0x0] =	wrdreg $0xFFFFFFFF;
	(pc) =	sbr.abs _section_cstart, $3  }
0xc3: {  	[dreg:$0x1] =	wrdreg $0xFFFFFFFF  }
0xc4: {  	_ =	task.clear_ibuf [dreg:s9], $0x2FFFF;
	_ =	strace $0x9FFFFFFF  }
0xc5: {  	(tm) =	ssettm $0x7FFFFFFF  }
tec
execute0_lowered:
.L_overlay_start_1:
0x0: {  	(tag) =	ssettag $0x1  }
0x1: {  	s0 =	rddreg [dreg:$0x0]  }
0x2: {  	s1 =	rddreg [dreg:$0x1]  }
0x3: {  	s4 =	rddreg [dreg:$0x2];
	s3 =	simm.s32 $0x0  }
0x4: {  	s19 =	simm.s32 $0x80;
	[smem:$0x7FF] =	sst s3  }
0x5: {  	s20 =	simm.s32 $0x900;
	_ =	strace $0x80000047;
	[dreg:$0x8] =	wrdreg s19  }
0x6: {  	s21 =	simm.s32 $0x1100;
	[dreg:$0x9] =	wrdreg s20  }
0x7: {  	s22 =	simm.s32 $0x1900;
	[dreg:$0xa] =	wrdreg s21  }
0x8: {  	s23 =	simm.s32 $0x2100;
	[dreg:$0xb] =	wrdreg s22  }
0x9: {  	s24 =	simm.s32 $0x2900;
	[dreg:$0xc] =	wrdreg s23  }
0xa: {  	s25 =	simm.s32 $0x3100;
	[dreg:$0xd] =	wrdreg s24  }
0xb: {  	s2 =	stileid.u32;
	s26 =	simm.s32 $0x3900;
	[dreg:$0xe] =	wrdreg s25  }
0xc: {  	s6 =	sshll.u32 s2, $0x5;
	s2 =	simm.s32 $0x4100;
	[dreg:$0xf] =	wrdreg s26  }
0xd: {  	s9 =	simm.s32 $0x6900;
	[dreg:$0x10] =	wrdreg s2  }
0xe: {  	s5 =	srdreg.scid;
	s10 =	simm.s32 $0x7100;
	[dreg:$0x15] =	wrdreg s9  }
0xf: {  	s11 =	simm.s32 $0x7900;
	s12 =	simm.s32 $0x8100;
	[dreg:$0x16] =	wrdreg s10  }
0x10: {  	s13 =	simm.s32 $0x8900;
	s14 =	simm.s32 $0x9100;
	[dreg:$0x17] =	wrdreg s11  }
0x11: {  	s15 =	simm.s32 $0x9900;
	s28 =	simm.s32 $0x17900;
	[dreg:$0x18] =	wrdreg s12  }
0x12: {  	s29 =	simm.s32 $0x1;
	s30 =	simm.s32 $0x2;
	[dreg:$0x19] =	wrdreg s13  }
0x13: {  	s31 =	simm.s32 $0x3;
	s5 =	sand.u32 $0x1, s5;
	[dreg:$0x1a] =	wrdreg s14  }
0x14: {  	s7 =	sshll.u32 s5, $0x4;
	[dreg:$0x1b] =	wrdreg s15;
	s19 =	simm.s32 $0xB100  }
0x15: {  	s21 =	simm.s32 $0xB900;
	s22 =	simm.s32 $0xC900;
	[dreg:$0x1e] =	wrdreg s19  }
0x16: {  	s23 =	simm.s32 $0xD100;
	s24 =	simm.s32 $0xD900;
	[dreg:$0x1f] =	wrdreg s21  }
0x17: {  	s25 =	simm.s32 $0xE100;
	s26 =	simm.s32 $0xE900;
	[smem:$0x7F9] =	sst s22  }
0x18: {  	s9 =	simm.s32 $0xC100;
	s11 =	simm.s32 $0xF900;
	[smem:$0x7FA] =	sst s23  }
0x19: {  	s12 =	simm.s32 $0x10100;
	s13 =	simm.s32 $0x10900;
	[smem:$0x7FB] =	sst s24  }
0x1a: {  	s14 =	simm.s32 $0x11100;
	s15 =	simm.s32 $0x11900;
	[smem:$0x7FC] =	sst s25  }
0x1b: {  	s6 =	sor.u32 s7, s6;
	[smem:$0x7FD] =	sst s26;
	s19 =	simm.s32 $0x13900  }
0x1c: {  	s21 =	simm.s32 $0x14900;
	s22 =	simm.s32 $0x15100;
	s23 =	simm.s32 $0x15900  }
0x1d: {  	s24 =	simm.s32 $0x16100;
	s7 =	sadd.s32 s0, s6;
	s8 =	sor.u32 $0x8, s6  }
0x1e: {  	s25 =	simm.s32 $0x16900;
	[dreg:$0x4] =	wrdreg s7;
	s0 =	sadd.s32 s0, s8  }
0x1f: {  	s6 =	smul.u32 $0x300, s6;
	s7 =	simm.s32 $0x5900;
	[dreg:$0x5] =	wrdreg s0  }
0x20: {  	s16 =	smul.u32 $0x300, s8;
	s8 =	simm.s32 $0x6100;
	[dreg:$0x13] =	wrdreg s7  }
0x21: {  	s26 =	simm.s32 $0x17100;
	s17 =	sadd.s32 s4, s6;
	[dreg:$0x14] =	wrdreg s8  }
0x22: {  	s6 =	simm.s32 $0x5100;
	s7 =	simm.s32 $0x5;
	[dreg:$0x6] =	wrdreg s17  }
0x23: {  	s8 =	simm.s32 $0x100;
	s18 =	sadd.s32 s4, s16;
	[dreg:$0x12] =	wrdreg s6  }
0x24: {  	s0 =	simm.s32 $0x4;
	s4 =	simm.s32 $0x4900;
	[dreg:$0x7] =	wrdreg s18  }
0x25: {  	s16 =	simm.s32 $0xA100;
	s17 =	ssub.s32 $0x2, s5;
	[dreg:$0x11] =	wrdreg s4  }
0x26: {  	[dreg:$0x1c] =	wrdreg s16;
	s18 =	simm.s32 $0xA900;
	s5 =	sshrl.u32 s17, $0x1  }
0x27: {  	v2 =	vlaneseq.u32;
	s4 =	sadd.s32 $0x100, s1;
	s16 =	simm.s32 $0x12100;
	[dreg:$0x1d] =	wrdreg s18  }
0x28: {  	vm0 =	vmmov $0xffff;
	v1 =	vshrl.u32 v2, $0x3;
	s20 =	ssub.s32 s17, s5;
	s5 =	sadd.s32 $0x200, s1;
	s17 =	simm.s32 $0x12900  }
0x29: {  	v0 =	vand.u32 $0x7, v2;
	v2 =	vor.u32 $0x8, v2;
	v1 =	vmul.u32 $0x8, v1;
	s18 =	simm.s32 $0x13100;
	s6 =	smax.u32 s20, $0x1;
	s20 =	simm.s32 $0x14100  }
.LBB2_1:
0x2a: {  	s2 =	rddreg [dreg:$0x4]  }
0x2b: {  	[tilespmem:s3], [sflag:$0x5] =	stream.linear.gather [hbm4b:s2+s3], $0x40, $0x38;
	[tilespmem:$0x18100] =	vst v63  }
0x2c: {  	_ =	swait.ge [sflag:s7], $0x40  }
0x2d: {  	s2 =	rddreg [dreg:$0x5];
	[sflag:s7] =	ssyncset.done $0x0  }
0x2e: {  	s10 =	rddreg [dreg:$0x8];
	[sflag:s7] =	ssyncadd.s32 $0xFFFFFFC0  }
0x2f: {  	[tilespmem:s10], [sflag:$0x5] =	stream.linear.gather [hbm4b:s2+s3], $0x40, $0x38;
	[tilespmem:$0x18100] =	vst v63  }
0x30: {  	_ =	swait.ge [sflag:s7], $0x40  }
0x31: {  	[sflag:s7] =	ssyncset.done $0x0  }
0x32: {  	[sflag:s7] =	ssyncadd.s32 $0xFFFFFFC0  }
0x33: {  	v3 =	vld [tilespmem:$0x0];
	_ =	sdelay $0x4  }
0x34: {  	v4 =	vshrl.u32 v3, $0x3  }
0x35: {  	v4 =	vmul.u32 $0x30, v4  }
0x36: {  	v3 =	vand.u32 $0x7, v3  }
0x37: {  	v3 =	vor.u32 v3, v4  }
0x38: {  	v4 =	vperm.xlane v3, v0;
	_ =	sdelay $0x1  }
0x39: {  	v4 =	vadd.s32 v1, v4;
	_ =	sdelay $0x3  }
0x3a: {  	v3 =	vperm.xlane v3, v2  }
0x3b: {  	[tilespmem:s8], [sflag:$0x1] =	stream.indirect_vreg.gather [hbm4b:s1+s3], $0x80, v4, vm0, $0xb8;
	[tilespmem:$0x18100] =	vst v63  }
0x3c: {  	s2 =	rddreg [dreg:$0x9];
	v3 =	vadd.s32 v1, v3  }
0x3d: {  	[tilespmem:s2], [sflag:$0x1] =	stream.indirect_vreg.gather [hbm4b:s4+s3], $0x80, v4, vm0, $0xb8;
	[tilespmem:$0x18100] =	vst v63  }
0x3e: {  	s10 =	rddreg [dreg:$0xa]  }
0x3f: {  	[tilespmem:s10], [sflag:$0x1] =	stream.indirect_vreg.gather [hbm4b:s5+s3], $0x80, v4, vm0, $0xb8;
	[tilespmem:$0x18100] =	vst v63  }
0x40: {  	s2 =	rddreg [dreg:$0xb]  }
0x41: {  	[tilespmem:s2], [sflag:$0x1] =	stream.indirect_vreg.gather [hbm4b:s1+s3], $0x80, v3, vm0, $0xb8;
	[tilespmem:$0x18100] =	vst v63  }
0x42: {  	s10 =	rddreg [dreg:$0xc]  }
0x43: {  	[tilespmem:s10], [sflag:$0x1] =	stream.indirect_vreg.gather [hbm4b:s4+s3], $0x80, v3, vm0, $0xb8;
	[tilespmem:$0x18100] =	vst v63  }
0x44: {  	s2 =	rddreg [dreg:$0xd]  }
0x45: {  	[tilespmem:s2], [sflag:$0x1] =	stream.indirect_vreg.gather [hbm4b:s5+s3], $0x80, v3, vm0, $0xb8;
	[tilespmem:$0x18100] =	vst v63  }
0x46: {  	v3 =	vld [tilespmem:$0x10];
	_ =	sdelay $0x4  }
0x47: {  	v57 =	vshrl.u32 v3, $0x3  }
0x48: {  	v4 =	vmul.u32 $0x30, v57  }
0x49: {  	v3 =	vand.u32 $0x7, v3  }
0x4a: {  	v3 =	vor.u32 v3, v4  }
0x4b: {  	v4 =	vperm.xlane v3, v0;
	_ =	sdelay $0x1  }
0x4c: {  	v4 =	vadd.s32 v1, v4;
	_ =	sdelay $0x3  }
0x4d: {  	s2 =	rddreg [dreg:$0xe];
	v3 =	vperm.xlane v3, v2  }
0x4e: {  	[tilespmem:s2], [sflag:$0x1] =	stream.indirect_vreg.gather [hbm4b:s1+s3], $0x80, v4, vm0, $0xb8;
	[tilespmem:$0x18100] =	vst v63  }
0x4f: {  	s10 =	rddreg [dreg:$0xf];
	v3 =	vadd.s32 v1, v3  }
0x50: {  	[tilespmem:s10], [sflag:$0x1] =	stream.indirect_vreg.gather [hbm4b:s4+s3], $0x80, v4, vm0, $0xb8;
	[tilespmem:$0x18100] =	vst v63  }
0x51: {  	s2 =	rddreg [dreg:$0x10]  }
0x52: {  	[tilespmem:s2], [sflag:$0x1] =	stream.indirect_vreg.gather [hbm4b:s5+s3], $0x80, v4, vm0, $0xb8;
	[tilespmem:$0x18100] =	vst v63  }
0x53: {  	s10 =	rddreg [dreg:$0x11]  }
0x54: {  	[tilespmem:s10], [sflag:$0x1] =	stream.indirect_vreg.gather [hbm4b:s1+s3], $0x80, v3, vm0, $0xb8;
	[tilespmem:$0x18100] =	vst v63  }
0x55: {  	s2 =	rddreg [dreg:$0x12]  }
0x56: {  	[tilespmem:s2], [sflag:$0x1] =	stream.indirect_vreg.gather [hbm4b:s4+s3], $0x80, v3, vm0, $0xb8;
	[tilespmem:$0x18100] =	vst v63  }
0x57: {  	s10 =	rddreg [dreg:$0x13]  }
0x58: {  	[tilespmem:s10], [sflag:$0x1] =	stream.indirect_vreg.gather [hbm4b:s5+s3], $0x80, v3, vm0, $0xb8;
	[tilespmem:$0x18100] =	vst v63  }
0x59: {  	v3 =	vld [tilespmem:$0x20];
	_ =	sdelay $0x4  }
0x5a: {  	v58 =	vshrl.u32 v3, $0x3  }
0x5b: {  	v4 =	vmul.u32 $0x30, v58  }
0x5c: {  	v3 =	vand.u32 $0x7, v3  }
0x5d: {  	v3 =	vor.u32 v3, v4  }
0x5e: {  	v4 =	vperm.xlane v3, v0;
	_ =	sdelay $0x1  }
0x5f: {  	v4 =	vadd.s32 v1, v4;
	_ =	sdelay $0x3  }
0x60: {  	s2 =	rddreg [dreg:$0x14];
	v3 =	vperm.xlane v3, v2  }
0x61: {  	[tilespmem:s2], [sflag:$0x1] =	stream.indirect_vreg.gather [hbm4b:s1+s3], $0x80, v4, vm0, $0xb8;
	[tilespmem:$0x18100] =	vst v63  }
0x62: {  	s10 =	rddreg [dreg:$0x15];
	v3 =	vadd.s32 v1, v3  }
0x63: {  	[tilespmem:s10], [sflag:$0x1] =	stream.indirect_vreg.gather [hbm4b:s4+s3], $0x80, v4, vm0, $0xb8;
	[tilespmem:$0x18100] =	vst v63  }
0x64: {  	s2 =	rddreg [dreg:$0x16]  }
0x65: {  	[tilespmem:s2], [sflag:$0x1] =	stream.indirect_vreg.gather [hbm4b:s5+s3], $0x80, v4, vm0, $0xb8;
	[tilespmem:$0x18100] =	vst v63  }
0x66: {  	s10 =	rddreg [dreg:$0x17]  }
0x67: {  	[tilespmem:s10], [sflag:$0x1] =	stream.indirect_vreg.gather [hbm4b:s1+s3], $0x80, v3, vm0, $0xb8;
	[tilespmem:$0x18100] =	vst v63  }
0x68: {  	s2 =	rddreg [dreg:$0x18]  }
0x69: {  	[tilespmem:s2], [sflag:$0x1] =	stream.indirect_vreg.gather [hbm4b:s4+s3], $0x80, v3, vm0, $0xb8;
	[tilespmem:$0x18100] =	vst v63  }
0x6a: {  	s10 =	rddreg [dreg:$0x19]  }
0x6b: {  	[tilespmem:s10], [sflag:$0x1] =	stream.indirect_vreg.gather [hbm4b:s5+s3], $0x80, v3, vm0, $0xb8;
	[tilespmem:$0x18100] =	vst v63  }
0x6c: {  	v3 =	vld [tilespmem:$0x30];
	_ =	sdelay $0x4  }
0x6d: {  	v59 =	vshrl.u32 v3, $0x3  }
0x6e: {  	v4 =	vmul.u32 $0x30, v59  }
0x6f: {  	v3 =	vand.u32 $0x7, v3  }
0x70: {  	v3 =	vor.u32 v3, v4  }
0x71: {  	v4 =	vperm.xlane v3, v0;
	_ =	sdelay $0x1  }
0x72: {  	v4 =	vadd.s32 v1, v4;
	_ =	sdelay $0x3  }
0x73: {  	s2 =	rddreg [dreg:$0x1a];
	v3 =	vperm.xlane v3, v2  }
0x74: {  	[tilespmem:s2], [sflag:$0x1] =	stream.indirect_vreg.gather [hbm4b:s1+s3], $0x80, v4, vm0, $0xb8;
	[tilespmem:$0x18100] =	vst v63  }
0x75: {  	s10 =	rddreg [dreg:$0x1b];
	v3 =	vadd.s32 v1, v3  }
0x76: {  	[tilespmem:s10], [sflag:$0x1] =	stream.indirect_vreg.gather [hbm4b:s4+s3], $0x80, v4, vm0, $0xb8;
	[tilespmem:$0x18100] =	vst v63  }
0x77: {  	s2 =	rddreg [dreg:$0x1c]  }
0x78: {  	[tilespmem:s2], [sflag:$0x1] =	stream.indirect_vreg.gather [hbm4b:s5+s3], $0x80, v4, vm0, $0xb8;
	[tilespmem:$0x18100] =	vst v63  }
0x79: {  	s10 =	rddreg [dreg:$0x1d]  }
0x7a: {  	[tilespmem:s10], [sflag:$0x1] =	stream.indirect_vreg.gather [hbm4b:s1+s3], $0x80, v3, vm0, $0xb8;
	[tilespmem:$0x18100] =	vst v63  }
0x7b: {  	s2 =	rddreg [dreg:$0x1e]  }
0x7c: {  	[tilespmem:s2], [sflag:$0x1] =	stream.indirect_vreg.gather [hbm4b:s4+s3], $0x80, v3, vm0, $0xb8;
	[tilespmem:$0x18100] =	vst v63  }
0x7d: {  	s10 =	rddreg [dreg:$0x1f]  }
0x7e: {  	[tilespmem:s10], [sflag:$0x1] =	stream.indirect_vreg.gather [hbm4b:s5+s3], $0x80, v3, vm0, $0xb8;
	[tilespmem:$0x18100] =	vst v63  }
0x7f: {  	v3 =	vld [tilespmem:$0x80];
	_ =	sdelay $0x4  }
0x80: {  	v60 =	vshrl.u32 v3, $0x3  }
0x81: {  	v4 =	vmul.u32 $0x30, v60  }
0x82: {  	v3 =	vand.u32 $0x7, v3  }
0x83: {  	v3 =	vor.u32 v3, v4  }
0x84: {  	v4 =	vperm.xlane v3, v0;
	_ =	sdelay $0x1  }
0x85: {  	v4 =	vadd.s32 v1, v4;
	_ =	sdelay $0x3  }
0x86: {  	s2 =	sld [smem:$0x7F9];
	v3 =	vperm.xlane v3, v2  }
0x87: {  	[tilespmem:s9], [sflag:$0x2] =	stream.indirect_vreg.gather [hbm4b:s1+s3], $0x80, v4, vm0, $0xb8;
	[tilespmem:$0x18100] =	vst v63  }
0x88: {  	s10 =	sld [smem:$0x7FA];
	v3 =	vadd.s32 v1, v3  }
0x89: {  	[tilespmem:s2], [sflag:$0x2] =	stream.indirect_vreg.gather [hbm4b:s4+s3], $0x80, v4, vm0, $0xb8;
	[tilespmem:$0x18100] =	vst v63  }
0x8a: {  	s2 =	sld [smem:$0x7FB]  }
0x8b: {  	[tilespmem:s10], [sflag:$0x2] =	stream.indirect_vreg.gather [hbm4b:s5+s3], $0x80, v4, vm0, $0xb8;
	[tilespmem:$0x18100] =	vst v63  }
0x8c: {  	s10 =	sld [smem:$0x7FC]  }
0x8d: {  	[tilespmem:s2], [sflag:$0x2] =	stream.indirect_vreg.gather [hbm4b:s1+s3], $0x80, v3, vm0, $0xb8;
	[tilespmem:$0x18100] =	vst v63  }
0x8e: {  	s2 =	sld [smem:$0x7FD]  }
0x8f: {  	[tilespmem:s10], [sflag:$0x2] =	stream.indirect_vreg.gather [hbm4b:s4+s3], $0x80, v3, vm0, $0xb8;
	[tilespmem:$0x18100] =	vst v63  }
0x90: {  	_ = 	snop  }
0x91: {  	[tilespmem:s2], [sflag:$0x2] =	stream.indirect_vreg.gather [hbm4b:s5+s3], $0x80, v3, vm0, $0xb8;
	[tilespmem:$0x18100] =	vst v63  }
0x92: {  	v3 =	vld [tilespmem:$0x90];
	_ =	sdelay $0x4  }
0x93: {  	v61 =	vshrl.u32 v3, $0x3  }
0x94: {  	v4 =	vmul.u32 $0x30, v61  }
0x95: {  	v3 =	vand.u32 $0x7, v3  }
0x96: {  	v3 =	vor.u32 v3, v4  }
0x97: {  	v4 =	vperm.xlane v3, v0;
	_ =	sdelay $0x1  }
0x98: {  	v4 =	vadd.s32 v1, v4;
	_ =	sdelay $0x3  }
0x99: {  	s10 =	simm.s32 $0xF100;
	v3 =	vperm.xlane v3, v2  }
0x9a: {  	[tilespmem:s10], [sflag:$0x2] =	stream.indirect_vreg.gather [hbm4b:s1+s3], $0x80, v4, vm0, $0xb8;
	[tilespmem:$0x18100] =	vst v63  }
0x9b: {  	v3 =	vadd.s32 v1, v3  }
0x9c: {  	[tilespmem:s11], [sflag:$0x2] =	stream.indirect_vreg.gather [hbm4b:s4+s3], $0x80, v4, vm0, $0xb8;
	[tilespmem:$0x18100] =	vst v63  }
0x9d: {  	_ = 	snop  }
0x9e: {  	[tilespmem:s12], [sflag:$0x2] =	stream.indirect_vreg.gather [hbm4b:s5+s3], $0x80, v4, vm0, $0xb8;
	[tilespmem:$0x18100] =	vst v63  }
0x9f: {  	_ = 	snop  }
0xa0: {  	[tilespmem:s13], [sflag:$0x2] =	stream.indirect_vreg.gather [hbm4b:s1+s3], $0x80, v3, vm0, $0xb8;
	[tilespmem:$0x18100] =	vst v63  }
0xa1: {  	_ = 	snop  }
0xa2: {  	[tilespmem:s14], [sflag:$0x2] =	stream.indirect_vreg.gather [hbm4b:s4+s3], $0x80, v3, vm0, $0xb8;
	[tilespmem:$0x18100] =	vst v63  }
0xa3: {  	_ = 	snop  }
0xa4: {  	[tilespmem:s15], [sflag:$0x2] =	stream.indirect_vreg.gather [hbm4b:s5+s3], $0x80, v3, vm0, $0xb8;
	[tilespmem:$0x18100] =	vst v63  }
0xa5: {  	v3 =	vld [tilespmem:$0xA0];
	_ =	sdelay $0x4  }
0xa6: {  	v62 =	vshrl.u32 v3, $0x3  }
0xa7: {  	v4 =	vmul.u32 $0x30, v62  }
0xa8: {  	v3 =	vand.u32 $0x7, v3  }
0xa9: {  	v3 =	vor.u32 v3, v4  }
0xaa: {  	v4 =	vperm.xlane v3, v0;
	_ =	sdelay $0x1  }
0xab: {  	v4 =	vadd.s32 v1, v4;
	_ =	sdelay $0x3  }
0xac: {  	v3 =	vperm.xlane v3, v2  }
0xad: {  	[tilespmem:s16], [sflag:$0x2] =	stream.indirect_vreg.gather [hbm4b:s1+s3], $0x80, v4, vm0, $0xb8;
	[tilespmem:$0x18100] =	vst v63  }
0xae: {  	v3 =	vadd.s32 v1, v3  }
0xaf: {  	[tilespmem:s17], [sflag:$0x2] =	stream.indirect_vreg.gather [hbm4b:s4+s3], $0x80, v4, vm0, $0xb8;
	[tilespmem:$0x18100] =	vst v63  }
0xb0: {  	_ = 	snop  }
0xb1: {  	[tilespmem:s18], [sflag:$0x2] =	stream.indirect_vreg.gather [hbm4b:s5+s3], $0x80, v4, vm0, $0xb8;
	[tilespmem:$0x18100] =	vst v63  }
0xb2: {  	_ = 	snop  }
0xb3: {  	[tilespmem:s19], [sflag:$0x2] =	stream.indirect_vreg.gather [hbm4b:s1+s3], $0x80, v3, vm0, $0xb8;
	[tilespmem:$0x18100] =	vst v63  }
0xb4: {  	_ = 	snop  }
0xb5: {  	[tilespmem:s20], [sflag:$0x2] =	stream.indirect_vreg.gather [hbm4b:s4+s3], $0x80, v3, vm0, $0xb8;
	[tilespmem:$0x18100] =	vst v63  }
0xb6: {  	_ = 	snop  }
0xb7: {  	[tilespmem:s21], [sflag:$0x2] =	stream.indirect_vreg.gather [hbm4b:s5+s3], $0x80, v3, vm0, $0xb8;
	[tilespmem:$0x18100] =	vst v63  }
0xb8: {  	v3 =	vld [tilespmem:$0xB0];
	_ =	sdelay $0x4  }
0xb9: {  	v63 =	vshrl.u32 v3, $0x3  }
0xba: {  	v4 =	vmul.u32 $0x30, v63  }
0xbb: {  	v3 =	vand.u32 $0x7, v3  }
0xbc: {  	v3 =	vor.u32 v3, v4  }
0xbd: {  	v4 =	vperm.xlane v3, v0;
	_ =	sdelay $0x1  }
0xbe: {  	v4 =	vadd.s32 v1, v4;
	_ =	sdelay $0x3  }
0xbf: {  	v3 =	vperm.xlane v3, v2  }
0xc0: {  	[tilespmem:s22], [sflag:$0x2] =	stream.indirect_vreg.gather [hbm4b:s1+s3], $0x80, v4, vm0, $0xb8;
	[tilespmem:$0x18100] =	vst v63  }
0xc1: {  	v3 =	vadd.s32 v1, v3  }
0xc2: {  	[tilespmem:s23], [sflag:$0x2] =	stream.indirect_vreg.gather [hbm4b:s4+s3], $0x80, v4, vm0, $0xb8;
	[tilespmem:$0x18100] =	vst v63  }
0xc3: {  	_ = 	snop  }
0xc4: {  	[tilespmem:s24], [sflag:$0x2] =	stream.indirect_vreg.gather [hbm4b:s5+s3], $0x80, v4, vm0, $0xb8;
	[tilespmem:$0x18100] =	vst v63  }
0xc5: {  	_ = 	snop  }
0xc6: {  	[tilespmem:s25], [sflag:$0x2] =	stream.indirect_vreg.gather [hbm4b:s1+s3], $0x80, v3, vm0, $0xb8;
	[tilespmem:$0x18100] =	vst v63  }
0xc7: {  	_ = 	snop  }
0xc8: {  	[tilespmem:s26], [sflag:$0x2] =	stream.indirect_vreg.gather [hbm4b:s4+s3], $0x80, v3, vm0, $0xb8;
	[tilespmem:$0x18100] =	vst v63  }
0xc9: {  	_ = 	snop  }
0xca: {  	[tilespmem:s28], [sflag:$0x2] =	stream.indirect_vreg.gather [hbm4b:s5+s3], $0x80, v3, vm0, $0xb8;
	[tilespmem:$0x18100] =	vst v63  }
0xcb: {  	_ =	swait.ge [sflag:s29], $0xC000  }
0xcc: {  	[sflag:s29] =	ssyncset.done $0x0  }
0xcd: {  	s10 =	rddreg [dreg:$0x6];
	[sflag:s29] =	ssyncadd.s32 $0xFFFF4000  }
0xce: {  	[hbm4b:s10+s3] =	stream.linear.scatter [tilespmem:s8], [sflag:$0x3], $0xC000, $0x38;
	[tilespmem:$0x18100] =	vst v63  }
0xcf: {  	_ =	swait.ge [sflag:s30], $0xC000  }
0xd0: {  	[sflag:s30] =	ssyncset.done $0x0  }
0xd1: {  	s10 =	rddreg [dreg:$0x7];
	[sflag:s30] =	ssyncadd.s32 $0xFFFF4000  }
0xd2: {  	[hbm4b:s10+s3] =	stream.linear.scatter [tilespmem:s9], [sflag:$0x4], $0xC000, $0x38;
	[tilespmem:$0x18100] =	vst v63  }
0xd3: {  	p0 =	sne.s32 s6, $0x1;
	_ =	swait.ge [sflag:s31], $0xC000  }
.Ltmp0:
0xd4: {  	[sflag:s31] =	ssyncset.done $0x0;
	(pc) =	sbr.rel @p0 .LBB2_1-.Ltmp0, $4  }
0xd5: {  	[sflag:s31] =	ssyncadd.s32 $0xFFFF4000  }
0xd6: {  	_ =	swait.ge [sflag:s0], $0xC000  }
0xd7: {  	[sflag:s0] =	ssyncset.done $0x0  }
0xd8: {  	s6 =	sadd.s32 $0xFFFFFFFF, s6;
	[sflag:s0] =	ssyncadd.s32 $0xFFFF4000  }
0xd9: {  	_ =	sfence.sel $0x180000  }
0xda: {  	[bflag:$0x0] =	sbarrier.arrive $0xFFFF  }
0xdb: {  	_ =	strace $0x90000047  }
0xdc: {  	s0 =	stileid.u32;
	[bflag:$0x2] =	sbarrier.arrive $0xFFFF  }
0xdd: {  	p0 =	sne.s32 s0, $0x0;
	s0 =	rddreg [dreg:$0x3]  }
0xde: {  	s0 =	sadd.s32 @!p0 $0x100000, s0  }
0xdf: {  	[sflag:s0] =	ssyncadd.tile.s32 @!p0 $0x1;
	_ =	shalt  }
.Lfunc_end2:
_tile_overlayer_lowered:
.L_overlay_start_2:
0xe0: {  	(tag) =	ssettag $0x2  }
0xe1: {  	s0 =	rddreg [dreg:$0x0];
	s2 =	stileid.u32  }
0xe2: {  	s1 =	rddreg [dreg:$0x1];
	p0 =	sne.s32 s2, $0x0  }
0xe3: {  	s3 =	rddreg [dreg:$0x2];
	[bflag:$0x3] =	sbarrier.arrive $0xFFFF;
	s2 =	simm.s32 @!p0 $0x1C05  }
0xe4: {  	[timem:s3], [sflag:s2] =	dma.local @!p0 [hbm:s0], s1  }
0xe5: {  	s0 =	simm.s32 @!p0 $0x5  }
0xe6: {  	_ =	swait.ge @!p0 [sflag:s0], s1  }
0xe7: {  	s1 =	ssub.s32 @!p0 $0x0, s1;
	[sflag:s0] =	ssyncset.done @!p0 $0x0  }
0xe8: {  	[sflag:s0] =	ssyncadd.s32 @!p0 s1  }
0xe9: {  	[bflag:$0x3] =	sbarrier.arrive $0xFFFF  }
0xea: {  	_ =	shalt  }

</sc_bundles>
